<compile_context>
chip_gen: v7x
topology: tpu7x:2x2x1
jax: 0.10.2.dev20260603
libtpu: 0.0.44.dev20260713+nightly
codegen_flags: <defaults>
</compile_context>

<pallas_src>
import jax
import jax.numpy as jnp
from jax import lax
from jax.experimental import pallas as pl
from jax.experimental.pallas import tpu as pltpu

B, S, H = 4, 8192, 1024
SAMPLE = 32
LANES = 128
HB = H // LANES


def _topk_body(hs_ref, sc_ref, out_ref):
    x = jnp.maximum(hs_ref[0], 0.0)
    colsum = jnp.sum(x, axis=0, keepdims=True)
    maskv = (colsum == 0.0).astype(jnp.float32)
    t2 = x + maskv
    score = sc_ref[...]
    if True:
        out_ref[0] = jnp.broadcast_to(
            jnp.sum(t2, axis=0, keepdims=True) + jnp.sum(score, axis=0, keepdims=True),
            (8, LANES))
        return
    su = lax.bitcast_convert_type(score, jnp.int32)
    ikey = su ^ ((su >> 31) & jnp.int32(0x7FFFFFFF))

    lo = jnp.min(ikey, axis=0, keepdims=True) - 1
    hi = jnp.max(ikey, axis=0, keepdims=True)

    def bbody(i, carry):
        lo, hi = carry
        mid = (lo >> 1) + (hi >> 1) + (lo & hi & 1)
        cnt = jnp.sum((ikey > mid).astype(jnp.int32), axis=0, keepdims=True)
        ge = cnt >= SAMPLE
        return jnp.where(ge, mid, lo), jnp.where(ge, hi, mid)

    lo, hi = lax.fori_loop(0, 32, bbody, (lo, hi))
    gt = ikey > hi
    cgt = jnp.sum(gt.astype(jnp.int32), axis=0, keepdims=True)
    ssum = jnp.sum(jnp.where(gt, t2, 0.0), axis=0, keepdims=True)
    need = SAMPLE - cgt
    tie = ikey == hi
    iota = lax.broadcasted_iota(jnp.int32, (S, LANES), 0)

    def tcond(c):
        return jnp.max(c[2]) > 0

    def tbody(c):
        ssum, prev, need = c
        cand = jnp.where(tie & (iota > prev) & (need > 0), iota, S)
        amin = jnp.min(cand, axis=0, keepdims=True)
        takev = iota == amin
        ssum = ssum + jnp.sum(jnp.where(takev, t2, 0.0), axis=0, keepdims=True)
        need = jnp.maximum(need - 1, 0)
        return ssum, amin, need

    prev0 = jnp.full((1, LANES), -1, jnp.int32)
    ssum, _, _ = lax.while_loop(tcond, tbody, (ssum, prev0, need))
    pooled = ssum - jnp.float32(SAMPLE) * maskv
    out_ref[0] = jnp.broadcast_to(pooled, (8, LANES))


def _mm_body(p_ref, wt_ref, b_ref, o_ref):
    acc = lax.dot_general(
        p_ref[...].astype(jnp.bfloat16), wt_ref[...].astype(jnp.bfloat16),
        (((1,), (0,)), ((), ())),
        preferred_element_type=jnp.float32,
    )
    o_ref[...] = jnp.tanh(acc + b_ref[...])


def kernel(hidden_states, W, b):
    key = jax.random.key(42)
    g = jax.random.gumbel(key, (B * H, S), dtype=jnp.float32)
    t2 = jnp.transpose(jax.nn.relu(hidden_states), (0, 2, 1)).reshape(-1, S)
    rmask = (jnp.sum(t2, axis=1) == 0).astype(t2.dtype)[:, None]
    t2 = t2 + rmask
    scoreT = (jnp.log(jnp.maximum(t2, 1e-30)) + g).T

    grid = (B * HB,)
    pooled_blocks = pl.pallas_call(
        _topk_body,
        grid=grid,
        in_specs=[
            pl.BlockSpec((1, S, LANES), lambda n: (n // HB, 0, n % HB)),
            pl.BlockSpec((S, LANES), lambda n: (0, n)),
        ],
        out_specs=pl.BlockSpec((1, 8, LANES), lambda n: (n, 0, 0)),
        out_shape=jax.ShapeDtypeStruct((B * HB, 8, LANES), jnp.float32),
        compiler_params=pltpu.CompilerParams(
            dimension_semantics=("parallel",)),
    )(hidden_states, scoreT)
    pooled = pooled_blocks[:, 0, :].reshape(B, H)

    out = pl.pallas_call(
        _mm_body,
        out_shape=jax.ShapeDtypeStruct((B, H), jnp.float32),
    )(pooled, W.T, b.reshape(1, H))
    return out

# --- scband reference (transcript-rebuilt; emitter-appended) ---
"""Pipeline reference for scband-my-bert-pooler-stochastic-76192719831707 (READ-ONLY COPY).

The authoritative reference and input builder live on the scoring server;
editing this copy changes nothing except your own understanding.
"""

import jax, jax.numpy as jnp
import numpy as np

B, S, H = 4, 8192, 1024
SAMPLE = 32


def setup_inputs(seed: int = 0) -> dict:
    key = jax.random.key(seed)
    k1, k2 = jax.random.split(key, 2)
    hidden_states = jax.random.normal(k1, (B, S, H), dtype=jnp.float32)
    W = jax.random.normal(k2, (H, H), dtype=jnp.float32) * 0.02
    b = jnp.zeros((H,), dtype=jnp.float32)
    return {"hidden_states": hidden_states, "W": W, "b": b}


def _multinomial_sample(t, i, key):
    # t: [B, S, H] nonnegative weights (post-ReLU)
    batch_size, seq_len, hidden = t.shape
    # transpose(1,2).reshape(-1, seq_len) -> [B*H, S]
    t2 = jnp.transpose(t, (0, 2, 1)).reshape(-1, seq_len)
    # mask rows whose weights are all zero; add 1 so sampling is valid
    mask = (jnp.sum(t2, axis=1) == 0).astype(t2.dtype)[:, None]
    t2 = t2 + mask
    # multinomial without replacement == Gumbel top-k on log-weights
    logw = jnp.log(jnp.maximum(t2, 1e-30))
    g = jax.random.gumbel(key, t2.shape, dtype=t2.dtype)
    _, mult = jax.lax.top_k(logw + g, i)  # [B*H, i] sampled indices
    gathered = jnp.take_along_axis(t2, mult, axis=-1)  # gather sampled weights
    gathered = gathered + mask * (-1.0)  # undo the +1 on masked rows
    return gathered.sum(axis=1).reshape(batch_size, -1)  # [B, H]


def reference(hidden_states, W, b):
    rep = jax.nn.relu(hidden_states)
    key = jax.random.key(42)  # fixed key -> deterministic sampling
    pooled = _multinomial_sample(rep, SAMPLE, key)
    pooled = pooled @ W.T + b  # nn.Linear
    return jnp.tanh(pooled)

if __name__ == "__main__":
    import jax
    _d = setup_inputs()
    print(jax.jit(kernel)(*tuple(_d.values())))

</pallas_src>

<mosaic_0001>
module attributes {stable_mosaic.version = 14 : i64} {
  func.func @_topk_body(%arg0: i32, %arg1: memref<1x8192x128xf32, #tpu.memory_space<vmem>>, %arg2: memref<8192x128xf32, #tpu.memory_space<vmem>>, %arg3: memref<1x8x128xf32, #tpu.memory_space<vmem>>) attributes {dimension_semantics = [#tpu.dimension_semantics<parallel>], iteration_bounds = array<i64: 32>, scalar_prefetch = 0 : i64, scratch_operands = 0 : i64, tpu.core_type = #tpu.core_type<tc>, window_params = [{transform_indices = @transform_0, window_bounds = array<i64: 1, 8192, 128>}, {transform_indices = @transform_1, window_bounds = array<i64: 8192, 128>}, {transform_indices = @transform_2, window_bounds = array<i64: 1, 8, 128>}]} {
    %get3A = arith.constant 0 : index
    %get3A_0 = arith.constant 0 : index
    %get3A_1 = arith.constant 0 : index
    %get3A_2 = vector.load %arg1[%get3A, %get3A_0, %get3A_1] : memref<1x8192x128xf32, #tpu.memory_space<vmem>>, vector<1x8192x128xf32>
    %get3A_3 = vector.shape_cast %get3A_2 : vector<1x8192x128xf32> to vector<8192x128xf32>
    %max3A = arith.constant 0.000000e+00 : f32
    %max3A_4 = vector.broadcast %max3A : f32 to vector<8192x128xf32>
    %max3A_5 = arith.maximumf %get3A_3, %max3A_4 : vector<8192x128xf32>
    %reduce_sum3A = arith.constant dense<0.000000e+00> : vector<128xf32>
    %reduce_sum3A_6 = vector.multi_reduction <add>, %max3A_5, %reduce_sum3A [0] : vector<8192x128xf32> to vector<128xf32>
    %broadcast_in_dim3A = vector.shape_cast %reduce_sum3A_6 : vector<128xf32> to vector<1x128xf32>
    %eq3A = arith.constant 0.000000e+00 : f32
    %eq3A_7 = vector.broadcast %eq3A : f32 to vector<1x128xf32>
    %eq3A_8 = arith.cmpf oeq, %broadcast_in_dim3A, %eq3A_7 : vector<1x128xf32>
    %convert_element_type3A = arith.extui %eq3A_8 : vector<1x128xi1> to vector<1x128xi32>
    %convert_element_type3A_9 = arith.sitofp %convert_element_type3A : vector<1x128xi32> to vector<1x128xf32>
    %add3A = vector.broadcast %convert_element_type3A_9 : vector<1x128xf32> to vector<8192x128xf32>
    %add3A_10 = arith.addf %max3A_5, %add3A : vector<8192x128xf32>
    %get3A_11 = arith.constant 0 : index
    %get3A_12 = arith.constant 0 : index
    %get3A_13 = vector.load %arg2[%get3A_11, %get3A_12] : memref<8192x128xf32, #tpu.memory_space<vmem>>, vector<8192x128xf32>
    %reduce_sum3A_14 = arith.constant dense<0.000000e+00> : vector<128xf32>
    %reduce_sum3A_15 = vector.multi_reduction <add>, %add3A_10, %reduce_sum3A_14 [0] : vector<8192x128xf32> to vector<128xf32>
    %broadcast_in_dim3A_16 = vector.shape_cast %reduce_sum3A_15 : vector<128xf32> to vector<1x128xf32>
    %reduce_sum3A_17 = arith.constant dense<0.000000e+00> : vector<128xf32>
    %reduce_sum3A_18 = vector.multi_reduction <add>, %get3A_13, %reduce_sum3A_17 [0] : vector<8192x128xf32> to vector<128xf32>
    %broadcast_in_dim3A_19 = vector.shape_cast %reduce_sum3A_18 : vector<128xf32> to vector<1x128xf32>
    %add3A_20 = arith.addf %broadcast_in_dim3A_16, %broadcast_in_dim3A_19 : vector<1x128xf32>
    %broadcast_in_dim3A_21 = vector.shape_cast %add3A_20 : vector<1x128xf32> to vector<1x128xf32>
    %broadcast_in_dim3A_22 = vector.broadcast %broadcast_in_dim3A_21 : vector<1x128xf32> to vector<8x128xf32>
    %swap3A = arith.constant 0 : index
    %swap3A_23 = arith.constant 0 : index
    %swap3A_24 = arith.constant 0 : index
    %swap3A_25 = vector.load %arg3[%swap3A, %swap3A_23, %swap3A_24] : memref<1x8x128xf32, #tpu.memory_space<vmem>>, vector<1x8x128xf32>
    %swap3A_26 = vector.shape_cast %swap3A_25 : vector<1x8x128xf32> to vector<8x128xf32>
    %swap3A_27 = vector.shape_cast %broadcast_in_dim3A_22 : vector<8x128xf32> to vector<1x8x128xf32>
    tpu.vector_store %arg3[%swap3A, %swap3A_23, %swap3A_24], %swap3A_27 {strides = array<i32>} : memref<1x8x128xf32, #tpu.memory_space<vmem>>, vector<1x8x128xf32>,
    return
  }
  func.func @transform_0(%arg0: i32) -> (i32, i32, i32) {
    %jit3A = arith.constant 8 : i32
    %div3A = arith.divsi %arg0, %jit3A : i32
    %sign3A = arith.constant 0 : i32
    %sign3A_0 = arith.cmpi sgt, %arg0, %sign3A : i32
    %sign3A_1 = arith.extui %sign3A_0 : i1 to i32
    %sign3A_2 = arith.constant 0 : i32
    %sign3A_3 = arith.cmpi slt, %arg0, %sign3A_2 : i32
    %sign3A_4 = arith.extui %sign3A_3 : i1 to i32
    %sign3A_5 = arith.subi %sign3A_1, %sign3A_4 : i32
    %sign3A_6 = arith.constant 0 : i32
    %sign3A_7 = arith.cmpi sgt, %jit3A, %sign3A_6 : i32
    %sign3A_8 = arith.extui %sign3A_7 : i1 to i32
    %sign3A_9 = arith.constant 0 : i32
    %sign3A_10 = arith.cmpi slt, %jit3A, %sign3A_9 : i32
    %sign3A_11 = arith.extui %sign3A_10 : i1 to i32
    %sign3A_12 = arith.subi %sign3A_8, %sign3A_11 : i32
    %ne3A = arith.cmpi ne, %sign3A_5, %sign3A_12 : i32
    %rem3A = arith.remsi %arg0, %jit3A : i32
    %ne3A_13 = arith.constant 0 : i32
    %ne3A_14 = arith.cmpi ne, %rem3A, %ne3A_13 : i32
    %and3A = arith.andi %ne3A, %ne3A_14 : i1
    %sub3A = arith.constant 1 : i32
    %sub3A_15 = arith.subi %div3A, %sub3A : i32
    %select_n3A = arith.select %and3A, %sub3A_15, %div3A : i32
    %jit3A_16 = arith.constant 8 : i32
    %eq3A = arith.constant 0 : i32
    %eq3A_17 = arith.cmpi eq, %jit3A_16, %eq3A : i32
    %jit3A_18 = arith.constant 1 : i32
    %select_n3A_19 = arith.select %eq3A_17, %jit3A_18, %jit3A_16 : i32
    %rem3A_20 = arith.remsi %arg0, %select_n3A_19 : i32
    %ne3A_21 = arith.constant 0 : i32
    %ne3A_22 = arith.cmpi ne, %rem3A_20, %ne3A_21 : i32
    %lt3A = arith.constant 0 : i32
    %lt3A_23 = arith.cmpi slt, %rem3A_20, %lt3A : i32
    %lt3A_24 = arith.constant 0 : i32
    %lt3A_25 = arith.cmpi slt, %select_n3A_19, %lt3A_24 : i32
    %ne3A_26 = arith.xori %lt3A_23, %lt3A_25 : i1
    %and3A_27 = arith.andi %ne3A_26, %ne3A_22 : i1
    %add3A = arith.addi %rem3A_20, %select_n3A_19 : i32
    %select_n3A_28 = arith.select %and3A_27, %add3A, %rem3A_20 : i32
    %c0_i32 = arith.constant 0 : i32
    %c0_i32_29 = arith.constant 0 : i32
    return %select_n3A, %c0_i32, %select_n3A_28 : i32, i32, i32
  }
  func.func @transform_1(%arg0: i32) -> (i32, i32) {
    %c0_i32 = arith.constant 0 : i32
    %c0_i32_0 = arith.constant 0 : i32
    return %c0_i32, %arg0 : i32, i32
  }
  func.func @transform_2(%arg0: i32) -> (i32, i32, i32) {
    %c0_i32 = arith.constant 0 : i32
    %c0_i32_0 = arith.constant 0 : i32
    %c0_i32_1 = arith.constant 0 : i32
    return %arg0, %c0_i32, %c0_i32_0 : i32, i32, i32
  }
}

module attributes {stable_mosaic.version = 14 : i64} {
  func.func @_mm_body(%arg0: memref<4x1024xf32, #tpu.memory_space<vmem>>, %arg1: memref<1024x1024xf32, #tpu.memory_space<vmem>>, %arg2: memref<1x1024xf32, #tpu.memory_space<vmem>>, %arg3: memref<4x1024xf32, #tpu.memory_space<vmem>>) attributes {dimension_semantics = [], scalar_prefetch = 0 : i64, scratch_operands = 0 : i64, tpu.core_type = #tpu.core_type<tc>} {
    %get3A = arith.constant 0 : index
    %get3A_0 = arith.constant 0 : index
    %get3A_1 = vector.load %arg0[%get3A, %get3A_0] : memref<4x1024xf32, #tpu.memory_space<vmem>>, vector<4x1024xf32>
    %convert_element_type3A = arith.truncf %get3A_1 : vector<4x1024xf32> to vector<4x1024xbf16>
    %get3A_2 = arith.constant 0 : index
    %get3A_3 = arith.constant 0 : index
    %get3A_4 = vector.load %arg1[%get3A_2, %get3A_3] : memref<1024x1024xf32, #tpu.memory_space<vmem>>, vector<1024x1024xf32>
    %convert_element_type3A_5 = arith.truncf %get3A_4 : vector<1024x1024xf32> to vector<1024x1024xbf16>
    %dot_general3A = arith.constant dense<0.000000e+00> : vector<4x1024xf32>
    %dot_general3A_6 = tpu.matmul %convert_element_type3A, %convert_element_type3A_5, %dot_general3A {dimension_numbers = #tpu.dot_dimension_numbers<[1], [0], [0], [1], [0, 0, 1, 1], [], []>, transpose_lhs_hint = false} : vector<4x1024xbf16>, vector<1024x1024xbf16>, vector<4x1024xf32> -> vector<4x1024xf32>
    %get3A_7 = arith.constant 0 : index
    %get3A_8 = arith.constant 0 : index
    %get3A_9 = vector.load %arg2[%get3A_7, %get3A_8] : memref<1x1024xf32, #tpu.memory_space<vmem>>, vector<1x1024xf32>
    %add3A = vector.broadcast %get3A_9 : vector<1x1024xf32> to vector<4x1024xf32>
    %add3A_10 = arith.addf %dot_general3A_6, %add3A : vector<4x1024xf32>
    %tanh3A = math.tanh %add3A_10 : vector<4x1024xf32>
    %swap3A = arith.constant 0 : index
    %swap3A_11 = arith.constant 0 : index
    %swap3A_12 = vector.load %arg3[%swap3A, %swap3A_11] : memref<4x1024xf32, #tpu.memory_space<vmem>>, vector<4x1024xf32>
    tpu.vector_store %arg3[%swap3A, %swap3A_11], %tanh3A {strides = array<i32>} : memref<4x1024xf32, #tpu.memory_space<vmem>>, vector<4x1024xf32>,
    return
  }
}

</mosaic_0001>

<sc_bundles>
// kernel: sparse-core-data-format-call.cloned.1.call-start
scs
called_computation_lowered:
.L_overlay_start_0:
0x0: {  	s1 =	sld [smem:$0x3FD9]  }
0x1: {  	s2 =	sld [smem:$0x3FFE];
	_ =	sdelay $0x1  }
0x2: {  	s3 =	srdreg.scid  }
0x3: {  	s0 =	sand.u32 $0x1, s3  }
0x4: {  	s17 =	sshll.u32 s0, $0xA;
	s1 =	sadd.s32 s2, s1  }
0x5: {  	s1 =	sadd.s32 s1, s17  }
0x6: {  	[smem:$0x3FC5] =	sst s1  }
0x7: {  	_ = 	snop  }
0x8: {  	(tm) =	ssettm $0x1  }
0x9: {  	s18 =	sld [smem:$0x3FFB];
	_ =	sdelay $0x3  }
0xa: {  	_ =	strace s18  }
0xb: {  	s1 =	sld [smem:$0x3FFC];
	_ =	sdelay $0x3  }
0xc: {  	_ =	strace s1  }
0xd: {  	s1 =	sld [smem:$0x3FFD];
	_ =	sdelay $0x3  }
0xe: {  	_ =	strace s1  }
0xf: {  	_ =	strace $0x8FFFFFFF  }
0x10: {  	s19 =	sld [smem:$0x3FDB];
	_ =	sdelay $0x1  }
0x11: {  	s20 =	simm.s32 $_scs_section_size  }
0x12: {  	s4 =	simm.s32 $_size__tile_overlayer_lowered;
	s5 =	simm.s32 $_tile_overlayer_lowered  }
0x13: {  	s23 =	simm.s32 $0x1BFF;
	s22 =	sshll.u32 s5, $0x1;
	s1 =	sadd.s32 s20, s19  }
0x14: {  	s6 =	simm.s32 $0x0;
	s21 =	sshll.u32 s4, $0x1;
	s4 =	sadd.s32 s22, s1  }
0x15: {  	[timem:s6], [sflag:s23] =	dma.local [hbm:s4], s21  }
0x16: {  	_ =	swait.ge [sflag:s23], s21  }
0x17: {  	s2 =	ssub.s32 $0x0, s21;
	[sflag:s23] =	ssyncset.done $0x0  }
0x18: {  	[sflag:s23] =	ssyncadd.s32 s2;
	_ =	sdelay $0x1  }
0x19: {  	s24 =	simm.s32 $0x1B8B  }
0x1a: {  	_ =	swait.ge [sflag:s24], $0x1  }
0x1b: {  	[sflag:s24] =	ssyncset.done $0x0  }
0x1c: {  	s26 =	simm.s32 $0x1B8E;
	s25 =	sld [smem:$0x3FFE];
	[sflag:s24] =	ssyncadd.s32 $0xFFFFFFFF  }
0x1d: {  	s27 =	simm.s32 $execute0_lowered;
	[smem:$0x3FD2] =	sst s26  }
0x1e: {  	s4 =	sshll.u32 s27, $0x1;
	_ =	strace $0x80000046;
	[dreg:$0x1] =	wrdreg $0xFFFFFFFF  }
0x1f: {  	s28 =	simm.s32 $_size_execute0_lowered;
	s1 =	sadd.s32 s1, s4;
	[dreg:$0x0] =	wrdreg $0x0  }
0x20: {  	s4 =	sshll.u32 s28, $0x1;
	[dreg:$0x2] =	wrdreg s1  }
0x21: {  	[dreg:$0x3] =	wrdreg s4  }
0x22: {  	[dreg:$0x4] =	wrdreg $0xC0  }
0x23: {  	_ =	task [dreg:s6], $0x5FFFF  }
0x24: {  	[dreg:$0x1] =	wrdreg $0xFFFFFFFF  }
0x25: {  	[dreg:$0x0] =	wrdreg $0x60  }
0x26: {  	[dreg:$0x2] =	wrdreg s25  }
0x27: {  	[dreg:$0x3] =	wrdreg $0x9  }
0x28: {  	_ =	task.clear_ibuf [dreg:s6], $0x4FFFF;
	_ =	strace $0x90000046  }
0x29: {  	s29 =	simm.s32 $0x9;
	_ =	strace $0x80000048  }
0x2a: {  	_ =	swait.ge [sflag:s29], $0x1  }
0x2b: {  	[sflag:s29] =	ssyncadd.s32 $0xFFFFFFFF  }
0x2c: {  	_ =	strace $0x90000048  }
0x2d: {  	_ =	sfence  }
0x2e: {  	s30 =	sld [smem:$0x0];
	_ =	sdelay $0x2  }
0x2f: {  	s31 =	sshll.u32 s3, $0xD;
	s3 =	sshrl.u32 s3, $0x2  }
0x30: {  	s2 =	sand.u32 $0x4000, s31;
	s1 =	sadd.s32 s3, s30  }
0x31: {  	s0 =	sor.u32 s2, s0;
	s1 =	sshll.u32 s1, $0x11  }
0x32: {  	s0 =	sor.u32 s1, s0  }
0x33: {  	s0 =	sadd.s32 $0x8F2B, s0  }
0x34: {  	[sflag:s0] =	ssyncadd.remote.s32 $0x1  }
0x35: {  	_ =	sfence.sel $0xFFFF  }
0x36: {  	[dreg:$0x0] =	wrdreg $0xFFFFFFFF;
	(pc) =	sbr.abs _section_cstart, $3  }
0x37: {  	[dreg:$0x1] =	wrdreg $0xFFFFFFFF  }
0x38: {  	_ =	task.clear_ibuf [dreg:s6], $0x2FFFF;
	_ =	strace $0x9FFFFFFF  }
0x39: {  	(tm) =	ssettm $0x7FFFFFFF  }
tec
execute0_lowered:
.L_overlay_start_1:
0x0: {  	(tag) =	ssettag $0x1  }
0x1: {  	s0 =	srdreg.scid;
	s3 =	stileid.u32  }
0x2: {  	s1 =	rddreg [dreg:$0x0];
	_ =	strace $0x80000047;
	s0 =	sshll.u32 s0, $0x4  }
0x3: {  	s2 =	simm.s32 $0x1;
	s31 =	simm.s32 $0x2;
	s0 =	sor.u32 s3, s0  }
0x4: {  	s11 =	simm.s32 $0x0;
	s12 =	simm.s32 $0x0;
	s0 =	sshrl.u32 s0, $0x1  }
0x5: {  	s13 =	simm.s32 $0x0;
	s5 =	sadd.s32 $0x200, s1;
	s4 =	sand.u32 $0xE, s0  }
0x6: {  	s1 =	sadd.s32 $0x400200, s1;
	s6 =	sand.u32 $0x3, s3;
	s0 =	ssub.s32 $0x400, s4  }
0x7: {  	[dreg:$0x4] =	wrdreg s1;
	s1 =	simm.s32 $0x1;
	s30 =	sand.u32 $0xE, s0  }
.Ltmp0:
0x8: {  	[dreg:$0x3] =	wrdreg s5;
	p0 =	sne.s32 s30, $0x0;
	(pc) =	sbr.rel .LBB1_1-.Ltmp0, $4  }
0x9: {  	[dreg:$0x5] =	wrdreg s6;
	s0 =	sshrl.u32 s0, $0x4;
	s1 =	simm.s32 @!p0 $0x0  }
0xa: {  	[sflag:s2] =	ssyncpa.u1 $0x0;
	[dreg:$0x2] =	wrdreg s4;
	s7 =	sadd.s32 s1, s0  }
0xb: {  	[sflag:s31] =	ssyncpa.u1 $0x0;
	s8 =	sadd.s32 $0x1, s7;
	[dreg:$0x6] =	wrdreg s7  }
0xc: {  	s10 =	smov.u32 s6;
	s9 =	smov.u32 s4;
	[dreg:$0x7] =	wrdreg s8  }
.LBB1_9:
0xd: {  	s0 =	sadd.s32 $0x10, s9  }
0xe: {  	s2 =	sadd.s32 $0x4, s10;
	s3 =	smov.u32 s10;
	p1 =	sgt.s32 s0, $0x3FF  }
0xf: {  	s3 =	smov.u32 @p1 s2  }
0x10: {  	s0 =	smov.u32 @p1 s4;
	p1 =	sgt.s32 s3, $0x3  }
0x11: {  	s3 =	smov.u32 @p1 s6;
	p1 =	sne.s32 s13, s8  }
.Ltmp1:
0x12: {  	p0 =	slt.u32 s13, $0x2;
	(pc) =	sbr.rel @!p1 .LBB1_10-.Ltmp1, $4  }
0x13: {  	s1 =	simm.s32 @!p0 $0x2  }
0x14: {  	s11 =	smov.u32 s9;
	_ =	swait.ge @!p0 [sflag:s1], $0x4000  }
0x15: {  	s12 =	smov.u32 s10;
	[sflag:s1] =	ssyncset.done @!p0 $0x0;
	s9 =	smov.u32 s0  }
0x16: {  	s13 =	sadd.s32 $0x1, s13;
	[sflag:s1] =	ssyncadd.s32 @!p0 $0xFFFFC000;
	s10 =	smov.u32 s3  }
.LBB1_1:
0x17: {  	p0 =	sge.u32 s13, s7  }
0x18: {  	s31 =	sadd.s32 $0xFFFFFFFF, s13;
	s0 =	sxor.u32 @!p0 $0xFFFFFFFF, s13;
	s1 =	sshll.u32 @!p0 s10, $0x14  }
0x19: {  	s2 =	sshll.u32 @!p0 s9, $0xA;
	s0 =	sshll.u32 @!p0 s0, $0xE;
	s1 =	sadd.s32 @!p0 s5, s1  }
0x1a: {  	s0 =	sand.u32 @!p0 $0x4000, s0;
	s1 =	sadd.s32 @!p0 s2, s1;
	s2 =	simm.s32 @!p0 $0x0  }
0x1b: {  	[tilespmem:s0], [sflag:$0x1] =	stream.linear.gather @!p0 [hbm4b:s1+s2], $0x4000, $0x38;
	[tilespmem:$0x10000] =	vst v63  }
0x1c: {  	p0 =	sge.u32 s31, s7  }
.Ltmp2:
0x1d: {  	_ = 	snop;
	(pc) =	sbr.rel @p0 .LBB1_9-.Ltmp2, $1  }
0x1e: {  	_ =	sdelay $0x3  }
0x1f: {  	[dreg:$0xb] =	wrdreg s12  }
0x20: {  	[dreg:$0xa] =	wrdreg s11;
	s0 =	sshll.u32 s13, $0xE  }
0x21: {  	[dreg:$0x9] =	wrdreg s10;
	s0 =	sand.u32 $0x4000, s0  }
0x22: {  	[dreg:$0x8] =	wrdreg s9;
	s1 =	simm.s32 $0x1;
	v0 =	vmov s0  }
0x23: {  	_ =	swait.ge [sflag:s1], $0x4000  }
0x24: {  	s17 =	simm.s32 $0x0;
	[sflag:s1] =	ssyncset.done $0x0;
	s2 =	sor.u32 $0x8000, s0  }
0x25: {  	p1 =	por $0x1, $0x1;
	[sflag:s1] =	ssyncadd.s32 $0xFFFFC000;
	[dreg:$0xc] =	wrdreg s2;
	v1 =	vmov s2  }
.LBB1_3:
0x26: {  	s18 =	sor.u32 $0x10, s17;
	s19 =	sor.u32 $0x20, s17;
	s20 =	sor.u32 $0x30, s17  }
0x27: {  	s21 =	sor.u32 $0x40, s17;
	s22 =	sor.u32 $0x50, s17;
	s23 =	sor.u32 $0x60, s17  }
0x28: {  	s24 =	sor.u32 $0x70, s17;
	s25 =	sor.u32 $0x400, s17;
	p0 =	por p1, p1  }
0x29: {  	s26 =	sor.u32 $0x800, s17;
	s27 =	sor.u32 $0xC00, s17;
	s28 =	simm.s32 $0x0  }
.LBB1_4:
0x2a: {  	s2 =	sshll.u32 s28, $0x7;
	s6 =	simm.s32 $0x0  }
0x2b: {  	p1 =	por $0x1, $0x1;
	s29 =	sor.u32 s17, s2;
	s30 =	sor.u32 s18, s2  }
0x2c: {  	s31 =	sor.u32 s19, s2;
	s1 =	sor.u32 s20, s2;
	s0 =	sor.u32 s21, s2  }
0x2d: {  	s9 =	sor.u32 s22, s2;
	s10 =	sor.u32 s23, s2;
	s4 =	sor.u32 s24, s2  }
0x2e: {  	s5 =	sor.u32 s25, s2;
	s3 =	sor.u32 s26, s2;
	s8 =	sor.u32 s27, s2  }
.LBB1_5:
0x2f: {  	s2 =	sor.u32 s6, s30  }
0x30: {  	s16 =	sor.u32 s6, s31;
	v2 =	vld.idx.msk [tilespmem:v0+s2+$0x0 ss:$0x1], $0xffff  }
0x31: {  	s7 =	sor.u32 s6, s1;
	v3 =	vld.idx.msk [tilespmem:v0+s16+$0x0 ss:$0x1], $0xffff  }
0x32: {  	s14 =	sor.u32 s6, s0;
	v4 =	vld.idx.msk [tilespmem:v0+s7+$0x0 ss:$0x1], $0xffff  }
0x33: {  	s15 =	sor.u32 s6, s9;
	v5 =	vld.idx.msk [tilespmem:v0+s14+$0x0 ss:$0x1], $0xffff  }
0x34: {  	s11 =	sor.u32 s6, s10;
	v6 =	vld.idx.msk [tilespmem:v0+s15+$0x0 ss:$0x1], $0xffff  }
0x35: {  	s12 =	sor.u32 s6, s4;
	[tilespmem:v1+s2+$0x0 ss:$0x1] =	vst.idx.msk $0xffff, v2;
	v2 =	vld.idx.msk [tilespmem:v0+s11+$0x0 ss:$0x1], $0xffff  }
0x36: {  	s2 =	sor.u32 s6, s29;
	[tilespmem:v1+s16+$0x0 ss:$0x1] =	vst.idx.msk $0xffff, v3;
	v3 =	vld.idx.msk [tilespmem:v0+s12+$0x0 ss:$0x1], $0xffff;
	s16 =	sor.u32 s6, s5  }
0x37: {  	[tilespmem:v1+s7+$0x0 ss:$0x1] =	vst.idx.msk $0xffff, v4;
	v49 =	vld.idx.msk [tilespmem:v0+s16+$0x0 ss:$0x1], $0xffff;
	s7 =	sor.u32 $0x410, s2  }
0x38: {  	[tilespmem:v1+s14+$0x0 ss:$0x1] =	vst.idx.msk $0xffff, v5;
	s14 =	sor.u32 $0x420, s2;
	v50 =	vld.idx.msk [tilespmem:v0+s7+$0x0 ss:$0x1], $0xffff  }
0x39: {  	[tilespmem:v1+s15+$0x0 ss:$0x1] =	vst.idx.msk $0xffff, v6;
	s15 =	sor.u32 $0x430, s2;
	v51 =	vld.idx.msk [tilespmem:v0+s14+$0x0 ss:$0x1], $0xffff  }
0x3a: {  	[tilespmem:v1+s11+$0x0 ss:$0x1] =	vst.idx.msk $0xffff, v2;
	v2 =	vld.idx.msk [tilespmem:v0+s15+$0x0 ss:$0x1], $0xffff;
	s11 =	sor.u32 $0x440, s2  }
0x3b: {  	[tilespmem:v1+s12+$0x0 ss:$0x1] =	vst.idx.msk $0xffff, v3;
	s12 =	sor.u32 $0x450, s2;
	v3 =	vld.idx.msk [tilespmem:v0+s11+$0x0 ss:$0x1], $0xffff  }
0x3c: {  	[tilespmem:v1+s16+$0x0 ss:$0x1] =	vst.idx.msk $0xffff, v49;
	v52 =	vld.idx.msk [tilespmem:v0+s12+$0x0 ss:$0x1], $0xffff;
	s16 =	sor.u32 $0x460, s2  }
0x3d: {  	[tilespmem:v1+s7+$0x0 ss:$0x1] =	vst.idx.msk $0xffff, v50;
	v53 =	vld.idx.msk [tilespmem:v0+s16+$0x0 ss:$0x1], $0xffff;
	s7 =	sor.u32 $0x470, s2  }
0x3e: {  	[tilespmem:v1+s14+$0x0 ss:$0x1] =	vst.idx.msk $0xffff, v51;
	s14 =	sor.u32 s6, s3;
	v54 =	vld.idx.msk [tilespmem:v0+s7+$0x0 ss:$0x1], $0xffff  }
0x3f: {  	[tilespmem:v1+s15+$0x0 ss:$0x1] =	vst.idx.msk $0xffff, v2;
	v2 =	vld.idx.msk [tilespmem:v0+s14+$0x0 ss:$0x1], $0xffff;
	s15 =	sor.u32 $0x810, s2  }
0x40: {  	s6 =	sor.u32 s6, s8;
	[tilespmem:v1+s11+$0x0 ss:$0x1] =	vst.idx.msk $0xffff, v3;
	v3 =	vld.idx.msk [tilespmem:v0+s15+$0x0 ss:$0x1], $0xffff  }
0x41: {  	v59 =	vld.idx.msk [tilespmem:v0+s6+$0x0 ss:$0x1], $0xffff;
	s11 =	sor.u32 $0x820, s2;
	[tilespmem:v1+s12+$0x0 ss:$0x1] =	vst.idx.msk $0xffff, v52  }
0x42: {  	s12 =	sor.u32 $0x830, s2;
	v55 =	vld.idx.msk [tilespmem:v0+s11+$0x0 ss:$0x1], $0xffff;
	[tilespmem:v1+s16+$0x0 ss:$0x1] =	vst.idx.msk $0xffff, v53  }
0x43: {  	v56 =	vld.idx.msk [tilespmem:v0+s12+$0x0 ss:$0x1], $0xffff;
	[tilespmem:v1+s7+$0x0 ss:$0x1] =	vst.idx.msk $0xffff, v54;
	s7 =	sor.u32 $0x850, s2  }
0x44: {  	[tilespmem:v1+s14+$0x0 ss:$0x1] =	vst.idx.msk $0xffff, v2;
	v2 =	vld.idx.msk [tilespmem:v0+s7+$0x0 ss:$0x1], $0xffff;
	s14 =	sor.u32 $0x860, s2  }
0x45: {  	s16 =	sor.u32 $0x840, s2;
	[tilespmem:v1+s15+$0x0 ss:$0x1] =	vst.idx.msk $0xffff, v3;
	v3 =	vld.idx.msk [tilespmem:v0+s14+$0x0 ss:$0x1], $0xffff  }
0x46: {  	v57 =	vld.idx.msk [tilespmem:v0+s16+$0x0 ss:$0x1], $0xffff;
	[tilespmem:v1+s6+$0x0 ss:$0x1] =	vst.idx.msk $0xffff, v59;
	s15 =	sor.u32 $0x870, s2  }
0x47: {  	[tilespmem:v1+s11+$0x0 ss:$0x1] =	vst.idx.msk $0xffff, v55;
	v58 =	vld.idx.msk [tilespmem:v0+s15+$0x0 ss:$0x1], $0xffff;
	s11 =	sor.u32 $0xC10, s2  }
0x48: {  	[tilespmem:v1+s12+$0x0 ss:$0x1] =	vst.idx.msk $0xffff, v56;
	v60 =	vld.idx.msk [tilespmem:v0+s11+$0x0 ss:$0x1], $0xffff  }
0x49: {  	[tilespmem:v1+s7+$0x0 ss:$0x1] =	vst.idx.msk $0xffff, v2;
	v2 =	vld.idx.msk [tilespmem:v0+s2+$0x0 ss:$0x1], $0xffff;
	s7 =	sor.u32 $0xC20, s2  }
0x4a: {  	s12 =	sor.u32 $0xC30, s2;
	[tilespmem:v1+s14+$0x0 ss:$0x1] =	vst.idx.msk $0xffff, v3;
	v3 =	vld.idx.msk [tilespmem:v0+s7+$0x0 ss:$0x1], $0xffff  }
0x4b: {  	[tilespmem:v1+s16+$0x0 ss:$0x1] =	vst.idx.msk $0xffff, v57;
	v61 =	vld.idx.msk [tilespmem:v0+s12+$0x0 ss:$0x1], $0xffff;
	s14 =	sor.u32 $0xC40, s2  }
0x4c: {  	[tilespmem:v1+s15+$0x0 ss:$0x1] =	vst.idx.msk $0xffff, v58;
	v62 =	vld.idx.msk [tilespmem:v0+s14+$0x0 ss:$0x1], $0xffff;
	s15 =	sor.u32 $0xC50, s2  }
0x4d: {  	s16 =	sor.u32 $0xC60, s2;
	[tilespmem:v1+s11+$0x0 ss:$0x1] =	vst.idx.msk $0xffff, v60;
	v63 =	vld.idx.msk [tilespmem:v0+s15+$0x0 ss:$0x1], $0xffff  }
0x4e: {  	[tilespmem:v1+s2+$0x0 ss:$0x1] =	vst.idx.msk $0xffff, v2;
	v2 =	vld.idx.msk [tilespmem:v0+s16+$0x0 ss:$0x1], $0xffff;
	s2 =	sor.u32 $0xC70, s2  }
0x4f: {  	p2 =	por p1, p1;
	[tilespmem:v1+s7+$0x0 ss:$0x1] =	vst.idx.msk $0xffff, v3;
	v3 =	vld.idx.msk [tilespmem:v0+s2+$0x0 ss:$0x1], $0xffff  }
.Ltmp3:
0x50: {  	[tilespmem:v1+s12+$0x0 ss:$0x1] =	vst.idx.msk $0xffff, v61;
	(pc) =	sbr.rel @p2 .LBB1_5-.Ltmp3, $4  }
0x51: {  	[tilespmem:v1+s14+$0x0 ss:$0x1] =	vst.idx.msk $0xffff, v62  }
0x52: {  	[tilespmem:v1+s15+$0x0 ss:$0x1] =	vst.idx.msk $0xffff, v63  }
0x53: {  	[tilespmem:v1+s16+$0x0 ss:$0x1] =	vst.idx.msk $0xffff, v2  }
0x54: {  	p1 =	por $0x0, $0x0;
	s6 =	simm.s32 $0x1000;
	[tilespmem:v1+s2+$0x0 ss:$0x1] =	vst.idx.msk $0xffff, v3  }
0x55: {  	s28 =	sadd.s32 $0x1, s28  }
0x56: {  	p1 =	sne.s32 s28, $0x8  }
.Ltmp4:
0x57: {  	_ = 	snop;
	(pc) =	sbr.rel @p1 .LBB1_4-.Ltmp4, $1  }
0x58: {  	_ =	sdelay $0x3  }
.Ltmp5:
0x59: {  	(pc) =	sbr.rel @p0 .LBB1_3-.Ltmp5, $2  }
0x5a: {  	_ =	sdelay $0x2  }
0x5b: {  	s17 =	simm.s32 $0x2000;
	p1 =	por $0x0, $0x0  }
0x5c: {  	s0 =	rddreg [dreg:$0xb]  }
0x5d: {  	s1 =	rddreg [dreg:$0xa]  }
0x5e: {  	s2 =	rddreg [dreg:$0x4]  }
0x5f: {  	s3 =	rddreg [dreg:$0xc]  }
0x60: {  	s4 =	rddreg [dreg:$0x2]  }
0x61: {  	s5 =	rddreg [dreg:$0x3]  }
0x62: {  	s6 =	rddreg [dreg:$0x5]  }
.Ltmp6:
0x63: {  	s7 =	rddreg [dreg:$0x6];
	(pc) =	sbr.rel .LBB1_9-.Ltmp6, $4  }
0x64: {  	s30 =	simm.s32 $0x2000;
	s8 =	rddreg [dreg:$0x7];
	s0 =	sshll.u32 s0, $0xA  }
0x65: {  	s9 =	rddreg [dreg:$0x8];
	s1 =	sshll.u32 s1, $0xC;
	s0 =	sadd.s32 s2, s0  }
0x66: {  	s31 =	simm.s32 $0x8000;
	s10 =	rddreg [dreg:$0x9];
	s0 =	sadd.s32 s1, s0  }
0x67: {  	[hbm4b:s0+s30] =	stream.strided.scatter [tilespmem:s3], [sflag:$0x2], $0x4000, s31, s30, $0x38;
	[tilespmem:$0x10000] =	vst v63  }
.LBB1_10:
0x68: {  	_ =	sfence.sel $0x180000  }
0x69: {  	s0 =	simm.s32 $0x1;
	[bflag:$0x0] =	sbarrier.arrive $0xFFFF  }
0x6a: {  	s30 =	simm.s32 $0x2;
	[sflag:s0] =	ssyncpa.u1 $0x1  }
0x6b: {  	[sflag:s30] =	ssyncpa.u1 $0x1  }
0x6c: {  	_ =	strace $0x90000047  }
0x6d: {  	s31 =	stileid.u32;
	[bflag:$0x2] =	sbarrier.arrive $0xFFFF  }
0x6e: {  	p0 =	sne.s32 s31, $0x0;
	s0 =	rddreg [dreg:$0x1]  }
0x6f: {  	s0 =	sadd.s32 @!p0 $0x100000, s0  }
0x70: {  	[sflag:s0] =	ssyncadd.tile.s32 @!p0 $0x1;
	_ =	shalt  }
.Lfunc_end1:
_tile_overlayer_lowered:
.L_overlay_start_2:
0x71: {  	(tag) =	ssettag $0x2  }
0x72: {  	s0 =	rddreg [dreg:$0x0];
	s2 =	stileid.u32  }
0x73: {  	s1 =	rddreg [dreg:$0x1];
	p0 =	sne.s32 s2, $0x0  }
0x74: {  	s3 =	rddreg [dreg:$0x2];
	[bflag:$0x3] =	sbarrier.arrive $0xFFFF;
	s2 =	simm.s32 @!p0 $0x1C01  }
0x75: {  	[timem:s3], [sflag:s2] =	dma.local @!p0 [hbm:s0], s1  }
0x76: {  	s0 =	simm.s32 @!p0 $0x1  }
0x77: {  	_ =	swait.ge @!p0 [sflag:s0], s1  }
0x78: {  	s1 =	ssub.s32 @!p0 $0x0, s1;
	[sflag:s0] =	ssyncset.done @!p0 $0x0  }
0x79: {  	[sflag:s0] =	ssyncadd.s32 @!p0 s1  }
0x7a: {  	[bflag:$0x3] =	sbarrier.arrive $0xFFFF  }
0x7b: {  	_ =	shalt  }

</sc_bundles>
